<compile_context>
chip_gen: v7x
topology: tpu7x:2x2x1
jax: 0.10.2.dev20260603
libtpu: 0.0.44.dev20260713+nightly
codegen_flags: <defaults>
</compile_context>

<pallas_src>
import functools

import jax
import jax.numpy as jnp
from jax import lax
from jax.experimental import pallas as pl
from jax.experimental.pallas import tpu as pltpu
from jax.experimental.pallas import tpu_sc as plsc

_D = 128
_RING = 2
_CHUNK = 200


@functools.partial(jax.jit, static_argnums=(2,))
def _sc_gather(idx_flat, table, total):
    info = plsc.get_sparse_core_info()
    nc, ns = info.num_cores, info.num_subcores
    nw = nc * ns
    per_w = total // nw
    n_chunks = per_w // _CHUNK

    mesh = plsc.VectorSubcoreMesh(core_axis_name="c", subcore_axis_name="s")

    @functools.partial(
        pl.kernel,
        out_type=jax.ShapeDtypeStruct((total, _D), jnp.float32),
        mesh=mesh,
        scratch_types=(
            [pltpu.VMEM((per_w,), jnp.int32)]
            + [pltpu.VMEM((_CHUNK, _D), jnp.float32) for _ in range(_RING)]
            + [pltpu.VMEM_SHARED((16, _RING, _CHUNK, _D), jnp.float32)]
            + [pltpu.SemaphoreType.DMA for _ in range(3 * _RING)]
        ),
    )
    def k(idx_hbm, table_hbm, out_hbm, idx_all, *scratch):
        rows = scratch[:_RING]
        shared = scratch[_RING]
        gsems = scratch[_RING + 1 : 2 * _RING + 1]
        osems = scratch[2 * _RING + 1 : 3 * _RING + 1]
        xsems = scratch[3 * _RING + 1 :]
        sid = lax.axis_index("s")
        wid = lax.axis_index("s") * nc + lax.axis_index("c")
        base = wid * per_w

        pltpu.sync_copy(idx_hbm.at[pl.ds(base, per_w)], idx_all)

        def start_gather(g, b):
            pltpu.async_copy(
                table_hbm.at[idx_all.at[pl.ds(g * _CHUNK, _CHUNK)]],
                rows[b],
                gsems[b],
            )

        def wait_gather(g, b):
            pltpu.make_async_copy(
                table_hbm.at[idx_all.at[pl.ds(g * _CHUNK, _CHUNK)]],
                rows[b],
                gsems[b],
            ).wait()

        def start_xcopy(b):
            pltpu.async_copy(rows[b], shared.at[sid, b], xsems[b])

        def wait_xcopy(b):
            pltpu.make_async_copy(rows[b], shared.at[sid, b], xsems[b]).wait()

        def start_out(g, b):
            pltpu.async_copy(
                shared.at[sid, b],
                out_hbm.at[pl.ds(base + g * _CHUNK, _CHUNK)],
                osems[b],
            )

        def wait_out(g, b):
            pltpu.make_async_copy(
                shared.at[sid, b],
                out_hbm.at[pl.ds(base + g * _CHUNK, _CHUNK)],
                osems[b],
            ).wait()

        for b in range(_RING):
            start_gather(b, b)
        for b in range(_RING):
            wait_gather(b, b)
            start_xcopy(b)

        def body(p, carry):
            for b in range(_RING):
                g = p * _RING + b
                wait_xcopy(b)
                start_out(g, b)
                start_gather(g + _RING, b)
                wait_out(g, b)
                wait_gather(g + _RING, b)
                start_xcopy(b)
            return carry

        lax.fori_loop(0, n_chunks // _RING - 1, body, 0, unroll=False)

        for b in range(_RING):
            g = n_chunks - _RING + b
            wait_xcopy(b)
            start_out(g, b)
        for b in range(_RING):
            g = n_chunks - _RING + b
            wait_out(g, b)

    return k(idx_flat, table)


def kernel(x, table):
    b, s = x.shape
    total = b * s
    idx_flat = x.reshape(total).astype(jnp.int32)
    out = _sc_gather(idx_flat, table, total)
    return out.reshape(b, s, _D)

# --- scband reference (transcript-rebuilt; emitter-appended) ---
"""Pipeline reference for scband-embedder-5463198400562 (READ-ONLY COPY).

The authoritative reference and input builder live on the scoring server;
editing this copy changes nothing except your own understanding.
"""

import jax, jax.numpy as jnp
import numpy as np

VOCAB = 100000
D_MODEL = 128

def setup_inputs(seed: int = 0) -> dict:
    key = jax.random.key(seed)
    k1, k2 = jax.random.split(key)
    x = jax.random.randint(k1, (4096, 200), 0, VOCAB, dtype=jnp.int64 if jax.config.jax_enable_x64 else jnp.int32)
    table = jax.random.normal(k2, (VOCAB, D_MODEL), dtype=jnp.float32)
    return {"x": x, "table": table}

def reference(x, table):
    # nn.Embedding forward: gather rows of the embedding table
    return jnp.take(table, x, axis=0)

if __name__ == "__main__":
    import jax
    _d = setup_inputs()
    print(jax.jit(kernel)(*tuple(_d.values())))

</pallas_src>

<mosaic_0001>
#map = affine_map<(d0, d1) -> (0)>
#map1 = affine_map<(d0, d1) -> (0, 0)>
module attributes {stable_mosaic.version = 14 : i64} {
  func.func @k(%arg0: i32, %arg1: i32, %arg2: memref<819200xi32, #tpu.memory_space<hbm>>, %arg3: memref<100000x128xf32, #tpu.memory_space<hbm>>, %arg4: memref<819200x128xf32, #tpu.memory_space<hbm>>, %arg5: memref<25600xi32, #tpu.memory_space<vmem>>, %arg6: memref<200x128xf32, #tpu.memory_space<vmem>>, %arg7: memref<200x128xf32, #tpu.memory_space<vmem>>, %arg8: memref<16x2x200x128xf32, #tpu.memory_space<vmem_shared>>, %arg9: memref<!tpu.dma_semaphore, #tpu.memory_space<semaphore_mem>>, %arg10: memref<!tpu.dma_semaphore, #tpu.memory_space<semaphore_mem>>, %arg11: memref<!tpu.dma_semaphore, #tpu.memory_space<semaphore_mem>>, %arg12: memref<!tpu.dma_semaphore, #tpu.memory_space<semaphore_mem>>, %arg13: memref<!tpu.dma_semaphore, #tpu.memory_space<semaphore_mem>>, %arg14: memref<!tpu.dma_semaphore, #tpu.memory_space<semaphore_mem>>) attributes {dimension_semantics = [#tpu.dimension_semantics<core_parallel>, #tpu.dimension_semantics<subcore_parallel>], iteration_bounds = array<i64: 2, 16>, scalar_prefetch = 0 : i64, scratch_operands = 10 : i64, tpu.core_type = #tpu.core_type<sc_vector_subcore>, window_params = [{transform_indices = #map}, {transform_indices = #map1}, {transform_indices = #map1}]} {
    %mul3A = arith.constant 2 : i32
    %mul3A_0 = arith.muli %arg1, %mul3A : i32
    %add3A = arith.addi %mul3A_0, %arg0 : i32
    %mul3A_1 = arith.constant 25600 : i32
    %mul3A_2 = arith.muli %add3A, %mul3A_1 : i32
    "tpu.region"() ({
      %run_scoped3A = tpu.sem_alloc : memref<!tpu.dma_semaphore, #tpu.memory_space<semaphore_mem>>
      %dma_start3A_98 = tpu.memref_slice %arg2[%mul3A_2] : memref<819200xi32, #tpu.memory_space<hbm>> -> memref<25600xi32, #tpu.memory_space<hbm>>
      %dma_start3A_99 = tpu.memref_slice %arg2[%mul3A_2] : memref<819200xi32, #tpu.memory_space<hbm>> -> memref<25600xi32, #tpu.memory_space<hbm>>
      tpu.enqueue_dma source(%dma_start3A_99 : memref<25600xi32, #tpu.memory_space<hbm>>) target(%arg5 : memref<25600xi32, #tpu.memory_space<vmem>>) target_semaphore(%run_scoped3A : memref<!tpu.dma_semaphore, #tpu.memory_space<semaphore_mem>>)
      %dma_wait3A_100 = tpu.memref_slice %arg2[%mul3A_2] : memref<819200xi32, #tpu.memory_space<hbm>> -> memref<25600xi32, #tpu.memory_space<hbm>>
      %dma_wait3A_101 = tpu.memref_slice %arg2[%mul3A_2] : memref<819200xi32, #tpu.memory_space<hbm>> -> memref<25600xi32, #tpu.memory_space<hbm>>
      tpu.wait_dma2 semaphore(%run_scoped3A : memref<!tpu.dma_semaphore, #tpu.memory_space<semaphore_mem>>) src(%dma_wait3A_101 : memref<25600xi32, #tpu.memory_space<hbm>>) dst(%arg5 : memref<25600xi32, #tpu.memory_space<vmem>>)
      tpu.yield
    }) : () -> ()
    %dma_start3A = arith.constant 0 : i32
    %dma_start3A_3 = tpu.memref_slice %arg5[%dma_start3A] : memref<25600xi32, #tpu.memory_space<vmem>> -> memref<200xi32, #tpu.memory_space<vmem>>
    %dma_start3A_4 = arith.constant 0 : i32
    %dma_start3A_5 = arith.constant 0 : i32
    %dma_start3A_6 = tpu.memref_slice %arg3[%dma_start3A_4, %dma_start3A_5] : memref<100000x128xf32, #tpu.memory_space<hbm>> -> memref<100000x128xf32, #tpu.memory_space<hbm>>
    tpu.enqueue_indirect_dma source(%dma_start3A_6 : memref<100000x128xf32, #tpu.memory_space<hbm>>) target(%arg6 : memref<200x128xf32, #tpu.memory_space<vmem>>) offsets(%dma_start3A_3 : memref<200xi32, #tpu.memory_space<vmem>>) semaphore(%arg9 : memref<!tpu.dma_semaphore, #tpu.memory_space<semaphore_mem>>)
    %dma_start3A_7 = arith.constant 200 : i32
    %dma_start3A_8 = tpu.memref_slice %arg5[%dma_start3A_7] : memref<25600xi32, #tpu.memory_space<vmem>> -> memref<200xi32, #tpu.memory_space<vmem>>
    %dma_start3A_9 = arith.constant 0 : i32
    %dma_start3A_10 = arith.constant 0 : i32
    %dma_start3A_11 = tpu.memref_slice %arg3[%dma_start3A_9, %dma_start3A_10] : memref<100000x128xf32, #tpu.memory_space<hbm>> -> memref<100000x128xf32, #tpu.memory_space<hbm>>
    tpu.enqueue_indirect_dma source(%dma_start3A_11 : memref<100000x128xf32, #tpu.memory_space<hbm>>) target(%arg7 : memref<200x128xf32, #tpu.memory_space<vmem>>) offsets(%dma_start3A_8 : memref<200xi32, #tpu.memory_space<vmem>>) semaphore(%arg10 : memref<!tpu.dma_semaphore, #tpu.memory_space<semaphore_mem>>)
    %dma_wait3A = arith.constant 0 : i32
    %dma_wait3A_12 = tpu.memref_slice %arg5[%dma_wait3A] : memref<25600xi32, #tpu.memory_space<vmem>> -> memref<200xi32, #tpu.memory_space<vmem>>
    %dma_wait3A_13 = arith.constant 0 : i32
    %dma_wait3A_14 = arith.constant 0 : i32
    %dma_wait3A_15 = tpu.memref_slice %arg3[%dma_wait3A_13, %dma_wait3A_14] : memref<100000x128xf32, #tpu.memory_space<hbm>> -> memref<100000x128xf32, #tpu.memory_space<hbm>>
    tpu.wait_indirect_dma semaphore(%arg9 : memref<!tpu.dma_semaphore, #tpu.memory_space<semaphore_mem>>) src(%dma_wait3A_15 : memref<100000x128xf32, #tpu.memory_space<hbm>>) dst(%arg6 : memref<200x128xf32, #tpu.memory_space<vmem>>)
    %dma_start3A_16 = arith.constant 0 : i32
    %dma_start3A_17 = arith.constant 0 : i32
    %dma_start3A_18 = arith.constant 0 : i32
    %dma_start3A_19 = tpu.memref_slice %arg8[%arg1, %dma_start3A_16, %dma_start3A_17, %dma_start3A_18] : memref<16x2x200x128xf32, #tpu.memory_space<vmem_shared>> -> memref<1x1x200x128xf32, #tpu.memory_space<vmem_shared>>
    %dma_start3A_20 = tpu.memref_squeeze %dma_start3A_19 : memref<1x1x200x128xf32, #tpu.memory_space<vmem_shared>> -> memref<200x128xf32, #tpu.memory_space<vmem_shared>>
    %dma_start3A_21 = arith.constant 0 : i32
    %dma_start3A_22 = arith.constant 0 : i32
    %dma_start3A_23 = tpu.memref_slice %arg8[%arg1, %dma_start3A_16, %dma_start3A_21, %dma_start3A_22] : memref<16x2x200x128xf32, #tpu.memory_space<vmem_shared>> -> memref<1x1x200x128xf32, #tpu.memory_space<vmem_shared>>
    %dma_start3A_24 = tpu.memref_squeeze %dma_start3A_23 : memref<1x1x200x128xf32, #tpu.memory_space<vmem_shared>> -> memref<200x128xf32, #tpu.memory_space<vmem_shared>>
    tpu.enqueue_dma source(%arg6 : memref<200x128xf32, #tpu.memory_space<vmem>>) target(%dma_start3A_24 : memref<200x128xf32, #tpu.memory_space<vmem_shared>>) target_semaphore(%arg13 : memref<!tpu.dma_semaphore, #tpu.memory_space<semaphore_mem>>)
    %dma_wait3A_25 = arith.constant 200 : i32
    %dma_wait3A_26 = tpu.memref_slice %arg5[%dma_wait3A_25] : memref<25600xi32, #tpu.memory_space<vmem>> -> memref<200xi32, #tpu.memory_space<vmem>>
    %dma_wait3A_27 = arith.constant 0 : i32
    %dma_wait3A_28 = arith.constant 0 : i32
    %dma_wait3A_29 = tpu.memref_slice %arg3[%dma_wait3A_27, %dma_wait3A_28] : memref<100000x128xf32, #tpu.memory_space<hbm>> -> memref<100000x128xf32, #tpu.memory_space<hbm>>
    tpu.wait_indirect_dma semaphore(%arg10 : memref<!tpu.dma_semaphore, #tpu.memory_space<semaphore_mem>>) src(%dma_wait3A_29 : memref<100000x128xf32, #tpu.memory_space<hbm>>) dst(%arg7 : memref<200x128xf32, #tpu.memory_space<vmem>>)
    %dma_start3A_30 = arith.constant 1 : i32
    %dma_start3A_31 = arith.constant 0 : i32
    %dma_start3A_32 = arith.constant 0 : i32
    %dma_start3A_33 = tpu.memref_slice %arg8[%arg1, %dma_start3A_30, %dma_start3A_31, %dma_start3A_32] : memref<16x2x200x128xf32, #tpu.memory_space<vmem_shared>> -> memref<1x1x200x128xf32, #tpu.memory_space<vmem_shared>>
    %dma_start3A_34 = tpu.memref_squeeze %dma_start3A_33 : memref<1x1x200x128xf32, #tpu.memory_space<vmem_shared>> -> memref<200x128xf32, #tpu.memory_space<vmem_shared>>
    %dma_start3A_35 = arith.constant 0 : i32
    %dma_start3A_36 = arith.constant 0 : i32
    %dma_start3A_37 = tpu.memref_slice %arg8[%arg1, %dma_start3A_30, %dma_start3A_35, %dma_start3A_36] : memref<16x2x200x128xf32, #tpu.memory_space<vmem_shared>> -> memref<1x1x200x128xf32, #tpu.memory_space<vmem_shared>>
    %dma_start3A_38 = tpu.memref_squeeze %dma_start3A_37 : memref<1x1x200x128xf32, #tpu.memory_space<vmem_shared>> -> memref<200x128xf32, #tpu.memory_space<vmem_shared>>
    tpu.enqueue_dma source(%arg7 : memref<200x128xf32, #tpu.memory_space<vmem>>) target(%dma_start3A_38 : memref<200x128xf32, #tpu.memory_space<vmem_shared>>) target_semaphore(%arg14 : memref<!tpu.dma_semaphore, #tpu.memory_space<semaphore_mem>>)
    %scan3A = arith.constant 0 : i32
    %scan3A_39 = arith.constant 0 : i32
    %scan3A_40 = arith.constant 63 : i32
    %scan3A_41 = arith.addi %scan3A_39, %scan3A_40 : i32
    %scan3A_42 = arith.constant 1 : i32
    scf.for %scan3A_98 = %scan3A_39 to %scan3A_41 step %scan3A_42  : i32 {
      %mul3A_99 = arith.constant 2 : i32
      %mul3A_100 = arith.muli %scan3A_98, %mul3A_99 : i32
      %add3A_101 = arith.constant 0 : i32
      %add3A_102 = arith.addi %mul3A_100, %add3A_101 : i32
      %dma_wait3A_103 = arith.constant 0 : i32
      %dma_wait3A_104 = arith.constant 0 : i32
      %dma_wait3A_105 = arith.constant 0 : i32
      %dma_wait3A_106 = tpu.memref_slice %arg8[%arg1, %dma_wait3A_103, %dma_wait3A_104, %dma_wait3A_105] : memref<16x2x200x128xf32, #tpu.memory_space<vmem_shared>> -> memref<1x1x200x128xf32, #tpu.memory_space<vmem_shared>>
      %dma_wait3A_107 = tpu.memref_squeeze %dma_wait3A_106 : memref<1x1x200x128xf32, #tpu.memory_space<vmem_shared>> -> memref<200x128xf32, #tpu.memory_space<vmem_shared>>
      %dma_wait3A_108 = arith.constant 0 : i32
      %dma_wait3A_109 = arith.constant 0 : i32
      %dma_wait3A_110 = tpu.memref_slice %arg8[%arg1, %dma_wait3A_103, %dma_wait3A_108, %dma_wait3A_109] : memref<16x2x200x128xf32, #tpu.memory_space<vmem_shared>> -> memref<1x1x200x128xf32, #tpu.memory_space<vmem_shared>>
      %dma_wait3A_111 = tpu.memref_squeeze %dma_wait3A_110 : memref<1x1x200x128xf32, #tpu.memory_space<vmem_shared>> -> memref<200x128xf32, #tpu.memory_space<vmem_shared>>
      tpu.wait_dma2 semaphore(%arg13 : memref<!tpu.dma_semaphore, #tpu.memory_space<semaphore_mem>>) src(%arg6 : memref<200x128xf32, #tpu.memory_space<vmem>>) dst(%dma_wait3A_111 : memref<200x128xf32, #tpu.memory_space<vmem_shared>>)
      %mul3A_112 = arith.constant 200 : i32
      %mul3A_113 = arith.muli %add3A_102, %mul3A_112 : i32
      %add3A_114 = arith.addi %mul3A_2, %mul3A_113 : i32
      %dma_start3A_115 = arith.constant 0 : i32
      %dma_start3A_116 = arith.constant 0 : i32
      %dma_start3A_117 = tpu.memref_slice %arg4[%add3A_114, %dma_start3A_116] : memref<819200x128xf32, #tpu.memory_space<hbm>> -> memref<200x128xf32, #tpu.memory_space<hbm>>
      %dma_start3A_118 = arith.constant 0 : i32
      %dma_start3A_119 = arith.constant 0 : i32
      %dma_start3A_120 = tpu.memref_slice %arg8[%arg1, %dma_start3A_115, %dma_start3A_118, %dma_start3A_119] : memref<16x2x200x128xf32, #tpu.memory_space<vmem_shared>> -> memref<1x1x200x128xf32, #tpu.memory_space<vmem_shared>>
      %dma_start3A_121 = tpu.memref_squeeze %dma_start3A_120 : memref<1x1x200x128xf32, #tpu.memory_space<vmem_shared>> -> memref<200x128xf32, #tpu.memory_space<vmem_shared>>
      tpu.enqueue_dma source(%dma_start3A_121 : memref<200x128xf32, #tpu.memory_space<vmem_shared>>) target(%dma_start3A_117 : memref<200x128xf32, #tpu.memory_space<hbm>>) target_semaphore(%arg11 : memref<!tpu.dma_semaphore, #tpu.memory_space<semaphore_mem>>)
      %add3A_122 = arith.constant 2 : i32
      %add3A_123 = arith.addi %add3A_102, %add3A_122 : i32
      %mul3A_124 = arith.constant 200 : i32
      %mul3A_125 = arith.muli %add3A_123, %mul3A_124 : i32
      %dma_start3A_126 = tpu.memref_slice %arg5[%mul3A_125] : memref<25600xi32, #tpu.memory_space<vmem>> -> memref<200xi32, #tpu.memory_space<vmem>>
      %dma_start3A_127 = arith.constant 0 : i32
      %dma_start3A_128 = arith.constant 0 : i32
      %dma_start3A_129 = tpu.memref_slice %arg3[%dma_start3A_127, %dma_start3A_128] : memref<100000x128xf32, #tpu.memory_space<hbm>> -> memref<100000x128xf32, #tpu.memory_space<hbm>>
      tpu.enqueue_indirect_dma source(%dma_start3A_129 : memref<100000x128xf32, #tpu.memory_space<hbm>>) target(%arg6 : memref<200x128xf32, #tpu.memory_space<vmem>>) offsets(%dma_start3A_126 : memref<200xi32, #tpu.memory_space<vmem>>) semaphore(%arg9 : memref<!tpu.dma_semaphore, #tpu.memory_space<semaphore_mem>>)
      %mul3A_130 = arith.constant 200 : i32
      %mul3A_131 = arith.muli %add3A_102, %mul3A_130 : i32
      %add3A_132 = arith.addi %mul3A_2, %mul3A_131 : i32
      %dma_wait3A_133 = arith.constant 0 : i32
      %dma_wait3A_134 = arith.constant 0 : i32
      %dma_wait3A_135 = tpu.memref_slice %arg4[%add3A_132, %dma_wait3A_134] : memref<819200x128xf32, #tpu.memory_space<hbm>> -> memref<200x128xf32, #tpu.memory_space<hbm>>
      %dma_wait3A_136 = arith.constant 0 : i32
      %dma_wait3A_137 = arith.constant 0 : i32
      %dma_wait3A_138 = tpu.memref_slice %arg8[%arg1, %dma_wait3A_133, %dma_wait3A_136, %dma_wait3A_137] : memref<16x2x200x128xf32, #tpu.memory_space<vmem_shared>> -> memref<1x1x200x128xf32, #tpu.memory_space<vmem_shared>>
      %dma_wait3A_139 = tpu.memref_squeeze %dma_wait3A_138 : memref<1x1x200x128xf32, #tpu.memory_space<vmem_shared>> -> memref<200x128xf32, #tpu.memory_space<vmem_shared>>
      tpu.wait_dma2 semaphore(%arg11 : memref<!tpu.dma_semaphore, #tpu.memory_space<semaphore_mem>>) src(%dma_wait3A_139 : memref<200x128xf32, #tpu.memory_space<vmem_shared>>) dst(%dma_wait3A_135 : memref<200x128xf32, #tpu.memory_space<hbm>>)
      %add3A_140 = arith.constant 2 : i32
      %add3A_141 = arith.addi %add3A_102, %add3A_140 : i32
      %mul3A_142 = arith.constant 200 : i32
      %mul3A_143 = arith.muli %add3A_141, %mul3A_142 : i32
      %dma_wait3A_144 = tpu.memref_slice %arg5[%mul3A_143] : memref<25600xi32, #tpu.memory_space<vmem>> -> memref<200xi32, #tpu.memory_space<vmem>>
      %dma_wait3A_145 = arith.constant 0 : i32
      %dma_wait3A_146 = arith.constant 0 : i32
      %dma_wait3A_147 = tpu.memref_slice %arg3[%dma_wait3A_145, %dma_wait3A_146] : memref<100000x128xf32, #tpu.memory_space<hbm>> -> memref<100000x128xf32, #tpu.memory_space<hbm>>
      tpu.wait_indirect_dma semaphore(%arg9 : memref<!tpu.dma_semaphore, #tpu.memory_space<semaphore_mem>>) src(%dma_wait3A_147 : memref<100000x128xf32, #tpu.memory_space<hbm>>) dst(%arg6 : memref<200x128xf32, #tpu.memory_space<vmem>>)
      %dma_start3A_148 = arith.constant 0 : i32
      %dma_start3A_149 = arith.constant 0 : i32
      %dma_start3A_150 = arith.constant 0 : i32
      %dma_start3A_151 = tpu.memref_slice %arg8[%arg1, %dma_start3A_148, %dma_start3A_149, %dma_start3A_150] : memref<16x2x200x128xf32, #tpu.memory_space<vmem_shared>> -> memref<1x1x200x128xf32, #tpu.memory_space<vmem_shared>>
      %dma_start3A_152 = tpu.memref_squeeze %dma_start3A_151 : memref<1x1x200x128xf32, #tpu.memory_space<vmem_shared>> -> memref<200x128xf32, #tpu.memory_space<vmem_shared>>
      %dma_start3A_153 = arith.constant 0 : i32
      %dma_start3A_154 = arith.constant 0 : i32
      %dma_start3A_155 = tpu.memref_slice %arg8[%arg1, %dma_start3A_148, %dma_start3A_153, %dma_start3A_154] : memref<16x2x200x128xf32, #tpu.memory_space<vmem_shared>> -> memref<1x1x200x128xf32, #tpu.memory_space<vmem_shared>>
      %dma_start3A_156 = tpu.memref_squeeze %dma_start3A_155 : memref<1x1x200x128xf32, #tpu.memory_space<vmem_shared>> -> memref<200x128xf32, #tpu.memory_space<vmem_shared>>
      tpu.enqueue_dma source(%arg6 : memref<200x128xf32, #tpu.memory_space<vmem>>) target(%dma_start3A_156 : memref<200x128xf32, #tpu.memory_space<vmem_shared>>) target_semaphore(%arg13 : memref<!tpu.dma_semaphore, #tpu.memory_space<semaphore_mem>>)
      %mul3A_157 = arith.constant 2 : i32
      %mul3A_158 = arith.muli %scan3A_98, %mul3A_157 : i32
      %add3A_159 = arith.constant 1 : i32
      %add3A_160 = arith.addi %mul3A_158, %add3A_159 : i32
      %dma_wait3A_161 = arith.constant 1 : i32
      %dma_wait3A_162 = arith.constant 0 : i32
      %dma_wait3A_163 = arith.constant 0 : i32
      %dma_wait3A_164 = tpu.memref_slice %arg8[%arg1, %dma_wait3A_161, %dma_wait3A_162, %dma_wait3A_163] : memref<16x2x200x128xf32, #tpu.memory_space<vmem_shared>> -> memref<1x1x200x128xf32, #tpu.memory_space<vmem_shared>>
      %dma_wait3A_165 = tpu.memref_squeeze %dma_wait3A_164 : memref<1x1x200x128xf32, #tpu.memory_space<vmem_shared>> -> memref<200x128xf32, #tpu.memory_space<vmem_shared>>
      %dma_wait3A_166 = arith.constant 0 : i32
      %dma_wait3A_167 = arith.constant 0 : i32
      %dma_wait3A_168 = tpu.memref_slice %arg8[%arg1, %dma_wait3A_161, %dma_wait3A_166, %dma_wait3A_167] : memref<16x2x200x128xf32, #tpu.memory_space<vmem_shared>> -> memref<1x1x200x128xf32, #tpu.memory_space<vmem_shared>>
      %dma_wait3A_169 = tpu.memref_squeeze %dma_wait3A_168 : memref<1x1x200x128xf32, #tpu.memory_space<vmem_shared>> -> memref<200x128xf32, #tpu.memory_space<vmem_shared>>
      tpu.wait_dma2 semaphore(%arg14 : memref<!tpu.dma_semaphore, #tpu.memory_space<semaphore_mem>>) src(%arg7 : memref<200x128xf32, #tpu.memory_space<vmem>>) dst(%dma_wait3A_169 : memref<200x128xf32, #tpu.memory_space<vmem_shared>>)
      %mul3A_170 = arith.constant 200 : i32
      %mul3A_171 = arith.muli %add3A_160, %mul3A_170 : i32
      %add3A_172 = arith.addi %mul3A_2, %mul3A_171 : i32
      %dma_start3A_173 = arith.constant 1 : i32
      %dma_start3A_174 = arith.constant 0 : i32
      %dma_start3A_175 = tpu.memref_slice %arg4[%add3A_172, %dma_start3A_174] : memref<819200x128xf32, #tpu.memory_space<hbm>> -> memref<200x128xf32, #tpu.memory_space<hbm>>
      %dma_start3A_176 = arith.constant 0 : i32
      %dma_start3A_177 = arith.constant 0 : i32
      %dma_start3A_178 = tpu.memref_slice %arg8[%arg1, %dma_start3A_173, %dma_start3A_176, %dma_start3A_177] : memref<16x2x200x128xf32, #tpu.memory_space<vmem_shared>> -> memref<1x1x200x128xf32, #tpu.memory_space<vmem_shared>>
      %dma_start3A_179 = tpu.memref_squeeze %dma_start3A_178 : memref<1x1x200x128xf32, #tpu.memory_space<vmem_shared>> -> memref<200x128xf32, #tpu.memory_space<vmem_shared>>
      tpu.enqueue_dma source(%dma_start3A_179 : memref<200x128xf32, #tpu.memory_space<vmem_shared>>) target(%dma_start3A_175 : memref<200x128xf32, #tpu.memory_space<hbm>>) target_semaphore(%arg12 : memref<!tpu.dma_semaphore, #tpu.memory_space<semaphore_mem>>)
      %add3A_180 = arith.constant 2 : i32
      %add3A_181 = arith.addi %add3A_160, %add3A_180 : i32
      %mul3A_182 = arith.constant 200 : i32
      %mul3A_183 = arith.muli %add3A_181, %mul3A_182 : i32
      %dma_start3A_184 = tpu.memref_slice %arg5[%mul3A_183] : memref<25600xi32, #tpu.memory_space<vmem>> -> memref<200xi32, #tpu.memory_space<vmem>>
      %dma_start3A_185 = arith.constant 0 : i32
      %dma_start3A_186 = arith.constant 0 : i32
      %dma_start3A_187 = tpu.memref_slice %arg3[%dma_start3A_185, %dma_start3A_186] : memref<100000x128xf32, #tpu.memory_space<hbm>> -> memref<100000x128xf32, #tpu.memory_space<hbm>>
      tpu.enqueue_indirect_dma source(%dma_start3A_187 : memref<100000x128xf32, #tpu.memory_space<hbm>>) target(%arg7 : memref<200x128xf32, #tpu.memory_space<vmem>>) offsets(%dma_start3A_184 : memref<200xi32, #tpu.memory_space<vmem>>) semaphore(%arg10 : memref<!tpu.dma_semaphore, #tpu.memory_space<semaphore_mem>>)
      %mul3A_188 = arith.constant 200 : i32
      %mul3A_189 = arith.muli %add3A_160, %mul3A_188 : i32
      %add3A_190 = arith.addi %mul3A_2, %mul3A_189 : i32
      %dma_wait3A_191 = arith.constant 1 : i32
      %dma_wait3A_192 = arith.constant 0 : i32
      %dma_wait3A_193 = tpu.memref_slice %arg4[%add3A_190, %dma_wait3A_192] : memref<819200x128xf32, #tpu.memory_space<hbm>> -> memref<200x128xf32, #tpu.memory_space<hbm>>
      %dma_wait3A_194 = arith.constant 0 : i32
      %dma_wait3A_195 = arith.constant 0 : i32
      %dma_wait3A_196 = tpu.memref_slice %arg8[%arg1, %dma_wait3A_191, %dma_wait3A_194, %dma_wait3A_195] : memref<16x2x200x128xf32, #tpu.memory_space<vmem_shared>> -> memref<1x1x200x128xf32, #tpu.memory_space<vmem_shared>>
      %dma_wait3A_197 = tpu.memref_squeeze %dma_wait3A_196 : memref<1x1x200x128xf32, #tpu.memory_space<vmem_shared>> -> memref<200x128xf32, #tpu.memory_space<vmem_shared>>
      tpu.wait_dma2 semaphore(%arg12 : memref<!tpu.dma_semaphore, #tpu.memory_space<semaphore_mem>>) src(%dma_wait3A_197 : memref<200x128xf32, #tpu.memory_space<vmem_shared>>) dst(%dma_wait3A_193 : memref<200x128xf32, #tpu.memory_space<hbm>>)
      %add3A_198 = arith.constant 2 : i32
      %add3A_199 = arith.addi %add3A_160, %add3A_198 : i32
      %mul3A_200 = arith.constant 200 : i32
      %mul3A_201 = arith.muli %add3A_199, %mul3A_200 : i32
      %dma_wait3A_202 = tpu.memref_slice %arg5[%mul3A_201] : memref<25600xi32, #tpu.memory_space<vmem>> -> memref<200xi32, #tpu.memory_space<vmem>>
      %dma_wait3A_203 = arith.constant 0 : i32
      %dma_wait3A_204 = arith.constant 0 : i32
      %dma_wait3A_205 = tpu.memref_slice %arg3[%dma_wait3A_203, %dma_wait3A_204] : memref<100000x128xf32, #tpu.memory_space<hbm>> -> memref<100000x128xf32, #tpu.memory_space<hbm>>
      tpu.wait_indirect_dma semaphore(%arg10 : memref<!tpu.dma_semaphore, #tpu.memory_space<semaphore_mem>>) src(%dma_wait3A_205 : memref<100000x128xf32, #tpu.memory_space<hbm>>) dst(%arg7 : memref<200x128xf32, #tpu.memory_space<vmem>>)
      %dma_start3A_206 = arith.constant 1 : i32
      %dma_start3A_207 = arith.constant 0 : i32
      %dma_start3A_208 = arith.constant 0 : i32
      %dma_start3A_209 = tpu.memref_slice %arg8[%arg1, %dma_start3A_206, %dma_start3A_207, %dma_start3A_208] : memref<16x2x200x128xf32, #tpu.memory_space<vmem_shared>> -> memref<1x1x200x128xf32, #tpu.memory_space<vmem_shared>>
      %dma_start3A_210 = tpu.memref_squeeze %dma_start3A_209 : memref<1x1x200x128xf32, #tpu.memory_space<vmem_shared>> -> memref<200x128xf32, #tpu.memory_space<vmem_shared>>
      %dma_start3A_211 = arith.constant 0 : i32
      %dma_start3A_212 = arith.constant 0 : i32
      %dma_start3A_213 = tpu.memref_slice %arg8[%arg1, %dma_start3A_206, %dma_start3A_211, %dma_start3A_212] : memref<16x2x200x128xf32, #tpu.memory_space<vmem_shared>> -> memref<1x1x200x128xf32, #tpu.memory_space<vmem_shared>>
      %dma_start3A_214 = tpu.memref_squeeze %dma_start3A_213 : memref<1x1x200x128xf32, #tpu.memory_space<vmem_shared>> -> memref<200x128xf32, #tpu.memory_space<vmem_shared>>
      tpu.enqueue_dma source(%arg7 : memref<200x128xf32, #tpu.memory_space<vmem>>) target(%dma_start3A_214 : memref<200x128xf32, #tpu.memory_space<vmem_shared>>) target_semaphore(%arg14 : memref<!tpu.dma_semaphore, #tpu.memory_space<semaphore_mem>>)
    }
    %scan3A_43 = arith.constant 63 : i32
    %dma_wait3A_44 = arith.constant 0 : i32
    %dma_wait3A_45 = arith.constant 0 : i32
    %dma_wait3A_46 = arith.constant 0 : i32
    %dma_wait3A_47 = tpu.memref_slice %arg8[%arg1, %dma_wait3A_44, %dma_wait3A_45, %dma_wait3A_46] : memref<16x2x200x128xf32, #tpu.memory_space<vmem_shared>> -> memref<1x1x200x128xf32, #tpu.memory_space<vmem_shared>>
    %dma_wait3A_48 = tpu.memref_squeeze %dma_wait3A_47 : memref<1x1x200x128xf32, #tpu.memory_space<vmem_shared>> -> memref<200x128xf32, #tpu.memory_space<vmem_shared>>
    %dma_wait3A_49 = arith.constant 0 : i32
    %dma_wait3A_50 = arith.constant 0 : i32
    %dma_wait3A_51 = tpu.memref_slice %arg8[%arg1, %dma_wait3A_44, %dma_wait3A_49, %dma_wait3A_50] : memref<16x2x200x128xf32, #tpu.memory_space<vmem_shared>> -> memref<1x1x200x128xf32, #tpu.memory_space<vmem_shared>>
    %dma_wait3A_52 = tpu.memref_squeeze %dma_wait3A_51 : memref<1x1x200x128xf32, #tpu.memory_space<vmem_shared>> -> memref<200x128xf32, #tpu.memory_space<vmem_shared>>
    tpu.wait_dma2 semaphore(%arg13 : memref<!tpu.dma_semaphore, #tpu.memory_space<semaphore_mem>>) src(%arg6 : memref<200x128xf32, #tpu.memory_space<vmem>>) dst(%dma_wait3A_52 : memref<200x128xf32, #tpu.memory_space<vmem_shared>>)
    %add3A_53 = arith.constant 25200 : i32
    %add3A_54 = arith.addi %mul3A_2, %add3A_53 : i32
    %dma_start3A_55 = arith.constant 0 : i32
    %dma_start3A_56 = arith.constant 0 : i32
    %dma_start3A_57 = tpu.memref_slice %arg4[%add3A_54, %dma_start3A_56] : memref<819200x128xf32, #tpu.memory_space<hbm>> -> memref<200x128xf32, #tpu.memory_space<hbm>>
    %dma_start3A_58 = arith.constant 0 : i32
    %dma_start3A_59 = arith.constant 0 : i32
    %dma_start3A_60 = tpu.memref_slice %arg8[%arg1, %dma_start3A_55, %dma_start3A_58, %dma_start3A_59] : memref<16x2x200x128xf32, #tpu.memory_space<vmem_shared>> -> memref<1x1x200x128xf32, #tpu.memory_space<vmem_shared>>
    %dma_start3A_61 = tpu.memref_squeeze %dma_start3A_60 : memref<1x1x200x128xf32, #tpu.memory_space<vmem_shared>> -> memref<200x128xf32, #tpu.memory_space<vmem_shared>>
    tpu.enqueue_dma source(%dma_start3A_61 : memref<200x128xf32, #tpu.memory_space<vmem_shared>>) target(%dma_start3A_57 : memref<200x128xf32, #tpu.memory_space<hbm>>) target_semaphore(%arg11 : memref<!tpu.dma_semaphore, #tpu.memory_space<semaphore_mem>>)
    %dma_wait3A_62 = arith.constant 1 : i32
    %dma_wait3A_63 = arith.constant 0 : i32
    %dma_wait3A_64 = arith.constant 0 : i32
    %dma_wait3A_65 = tpu.memref_slice %arg8[%arg1, %dma_wait3A_62, %dma_wait3A_63, %dma_wait3A_64] : memref<16x2x200x128xf32, #tpu.memory_space<vmem_shared>> -> memref<1x1x200x128xf32, #tpu.memory_space<vmem_shared>>
    %dma_wait3A_66 = tpu.memref_squeeze %dma_wait3A_65 : memref<1x1x200x128xf32, #tpu.memory_space<vmem_shared>> -> memref<200x128xf32, #tpu.memory_space<vmem_shared>>
    %dma_wait3A_67 = arith.constant 0 : i32
    %dma_wait3A_68 = arith.constant 0 : i32
    %dma_wait3A_69 = tpu.memref_slice %arg8[%arg1, %dma_wait3A_62, %dma_wait3A_67, %dma_wait3A_68] : memref<16x2x200x128xf32, #tpu.memory_space<vmem_shared>> -> memref<1x1x200x128xf32, #tpu.memory_space<vmem_shared>>
    %dma_wait3A_70 = tpu.memref_squeeze %dma_wait3A_69 : memref<1x1x200x128xf32, #tpu.memory_space<vmem_shared>> -> memref<200x128xf32, #tpu.memory_space<vmem_shared>>
    tpu.wait_dma2 semaphore(%arg14 : memref<!tpu.dma_semaphore, #tpu.memory_space<semaphore_mem>>) src(%arg7 : memref<200x128xf32, #tpu.memory_space<vmem>>) dst(%dma_wait3A_70 : memref<200x128xf32, #tpu.memory_space<vmem_shared>>)
    %add3A_71 = arith.constant 25400 : i32
    %add3A_72 = arith.addi %mul3A_2, %add3A_71 : i32
    %dma_start3A_73 = arith.constant 1 : i32
    %dma_start3A_74 = arith.constant 0 : i32
    %dma_start3A_75 = tpu.memref_slice %arg4[%add3A_72, %dma_start3A_74] : memref<819200x128xf32, #tpu.memory_space<hbm>> -> memref<200x128xf32, #tpu.memory_space<hbm>>
    %dma_start3A_76 = arith.constant 0 : i32
    %dma_start3A_77 = arith.constant 0 : i32
    %dma_start3A_78 = tpu.memref_slice %arg8[%arg1, %dma_start3A_73, %dma_start3A_76, %dma_start3A_77] : memref<16x2x200x128xf32, #tpu.memory_space<vmem_shared>> -> memref<1x1x200x128xf32, #tpu.memory_space<vmem_shared>>
    %dma_start3A_79 = tpu.memref_squeeze %dma_start3A_78 : memref<1x1x200x128xf32, #tpu.memory_space<vmem_shared>> -> memref<200x128xf32, #tpu.memory_space<vmem_shared>>
    tpu.enqueue_dma source(%dma_start3A_79 : memref<200x128xf32, #tpu.memory_space<vmem_shared>>) target(%dma_start3A_75 : memref<200x128xf32, #tpu.memory_space<hbm>>) target_semaphore(%arg12 : memref<!tpu.dma_semaphore, #tpu.memory_space<semaphore_mem>>)
    %add3A_80 = arith.constant 25200 : i32
    %add3A_81 = arith.addi %mul3A_2, %add3A_80 : i32
    %dma_wait3A_82 = arith.constant 0 : i32
    %dma_wait3A_83 = arith.constant 0 : i32
    %dma_wait3A_84 = tpu.memref_slice %arg4[%add3A_81, %dma_wait3A_83] : memref<819200x128xf32, #tpu.memory_space<hbm>> -> memref<200x128xf32, #tpu.memory_space<hbm>>
    %dma_wait3A_85 = arith.constant 0 : i32
    %dma_wait3A_86 = arith.constant 0 : i32
    %dma_wait3A_87 = tpu.memref_slice %arg8[%arg1, %dma_wait3A_82, %dma_wait3A_85, %dma_wait3A_86] : memref<16x2x200x128xf32, #tpu.memory_space<vmem_shared>> -> memref<1x1x200x128xf32, #tpu.memory_space<vmem_shared>>
    %dma_wait3A_88 = tpu.memref_squeeze %dma_wait3A_87 : memref<1x1x200x128xf32, #tpu.memory_space<vmem_shared>> -> memref<200x128xf32, #tpu.memory_space<vmem_shared>>
    tpu.wait_dma2 semaphore(%arg11 : memref<!tpu.dma_semaphore, #tpu.memory_space<semaphore_mem>>) src(%dma_wait3A_88 : memref<200x128xf32, #tpu.memory_space<vmem_shared>>) dst(%dma_wait3A_84 : memref<200x128xf32, #tpu.memory_space<hbm>>)
    %add3A_89 = arith.constant 25400 : i32
    %add3A_90 = arith.addi %mul3A_2, %add3A_89 : i32
    %dma_wait3A_91 = arith.constant 1 : i32
    %dma_wait3A_92 = arith.constant 0 : i32
    %dma_wait3A_93 = tpu.memref_slice %arg4[%add3A_90, %dma_wait3A_92] : memref<819200x128xf32, #tpu.memory_space<hbm>> -> memref<200x128xf32, #tpu.memory_space<hbm>>
    %dma_wait3A_94 = arith.constant 0 : i32
    %dma_wait3A_95 = arith.constant 0 : i32
    %dma_wait3A_96 = tpu.memref_slice %arg8[%arg1, %dma_wait3A_91, %dma_wait3A_94, %dma_wait3A_95] : memref<16x2x200x128xf32, #tpu.memory_space<vmem_shared>> -> memref<1x1x200x128xf32, #tpu.memory_space<vmem_shared>>
    %dma_wait3A_97 = tpu.memref_squeeze %dma_wait3A_96 : memref<1x1x200x128xf32, #tpu.memory_space<vmem_shared>> -> memref<200x128xf32, #tpu.memory_space<vmem_shared>>
    tpu.wait_dma2 semaphore(%arg12 : memref<!tpu.dma_semaphore, #tpu.memory_space<semaphore_mem>>) src(%dma_wait3A_97 : memref<200x128xf32, #tpu.memory_space<vmem_shared>>) dst(%dma_wait3A_93 : memref<200x128xf32, #tpu.memory_space<hbm>>)
    return
  }
}

</mosaic_0001>

<sc_bundles>
// kernel: _sc_gather.3.cloned.1.call-start
scs
__scs_entry_jumppad:
0x0: {  	(pc) =	sbr.rel $0x88, $3  }
0x1: {  	(tag) =	ssettag $0x0;
	lr =	simm.s32 $0x1  }
0x2: {  	[smem:$0x3F9F] =	sst lr;
	_ =	strace $0xD0000000  }
0x3: {  	_ = 	snop  }
0x4: {  	_ = 	snop  }
0x5: {  	_ = 	snop  }
0x6: {  	_ = 	snop  }
0x7: {  	_ = 	snop  }
__scs_overlays_trampoline_lowered:
0x8: {  	[smem:$0x3FAE] =	sst s0  }
0x9: {  	[smem:$0x3FAF] =	sst s1  }
0xa: {  	[smem:$0x3FB0] =	sst s2  }
0xb: {  	[smem:$0x3FB1] =	sst s3  }
0xc: {  	[smem:$0x3FB2] =	sst s4  }
0xd: {  	[smem:$0x3FB3] =	sst s5  }
0xe: {  	[smem:$0x3FB4] =	sst s6  }
0xf: {  	[smem:$0x3FB5] =	sst s7  }
0x10: {  	[smem:$0x3FB6] =	sst s8  }
0x11: {  	[smem:$0x3FB7] =	sst s9;
	s0 =	simm.s32 @!p0 $0x0  }
0x12: {  	s1 =	sld [smem:$0x3F9D];
	s0 =	simm.s32 @p0 $0x1  }
0x13: {  	[smem:$0x3FB8] =	sst s0;
	s0 =	simm.s32 @!p1 $0x0  }
0x14: {  	s2 =	sld [smem:$0x3F9C];
	s0 =	simm.s32 @p1 $0x1  }
0x15: {  	[smem:$0x3FB9] =	sst s0;
	s0 =	simm.s32 @!p2 $0x0  }
0x16: {  	s3 =	sld [smem:$0x3FDB];
	s0 =	simm.s32 @p2 $0x1  }
0x17: {  	s4 =	simm.s32 $0x1BF5;
	[smem:$0x3FBB] =	sst s0  }
0x18: {  	s0 =	sld [smem:$0x3F9E];
	_ =	swait.ge [sflag:s4], $0x0  }
0x19: {  	s7 =	sld [smem:$0x3F9F]  }
0x1a: {  	s8 =	sadd.s32 $0xFFFFE003, lr  }
0x1b: {  	s9 =	sadd.s32 $0xFFFFFEF7, lr;
	s5 =	simm.s32 $0xFFFFFFFF;
	p2 =	slt.u32 s8, $0xFFFFF086  }
0x1c: {  	p1 =	slt.u32 s9, $0xF7A;
	s5 =	simm.s32 @!p2 $0x0  }
0x1d: {  	s5 =	simm.s32 @p1 $0x1;
	p0 =	seq.s32 s7, s2  }
0x1e: {  	s7 =	smul.u32 @!p0 $0xF7A, s2;
	p2 =	seq.s32 @!p0 s5, $0x0  }
0x1f: {  	s9 =	smul.u32 $0xF7A, s1;
	s8 =	simm.s32 @!p0 $0x1BF5;
	p2 =	por !p2, p0  }
0x20: {  	[sflag:s8] =	ssyncset.s32 @!p0 $0xFFFFF086;
	s6 =	sadd.s32 @!p0 s3, s7;
	s7 =	simm.s32 @!p0 $0x108  }
0x21: {  	s3 =	sadd.s32 s3, s9;
	s6 =	sadd.s32 @!p0 $0x88, s6;
	s7 =	simm.s32 @p2 $0x1082  }
0x22: {  	[simem:s7], [sflag:s8] =	dma.local @!p0 [hbm:s6], $0xF7A  }
0x23: {  	s9 =	sor.u32 $0xD0000000, s2;
	s6 =	simm.s32 $0x108;
	_ =	swait.ge @!p0 [sflag:s8], $0x0  }
0x24: {  	s3 =	sadd.s32 $0x88, s3;
	s6 =	simm.s32 @!p1 $0x1082;
	[sflag:s4] =	ssyncset.s32 $0xFFFFF086  }
0x25: {  	[simem:s6], [sflag:s4] =	dma.local [hbm:s3], $0xF7A  }
0x26: {  	[smem:$0x3F9F] =	sst s1;
	(tag) =	ssettag s2;
	_ =	strace s9  }
0x27: {  	s1 =	sld [smem:$0x3FAF]  }
0x28: {  	s2 =	sld [smem:$0x3FB0]  }
0x29: {  	s4 =	sld [smem:$0x3FB2]  }
0x2a: {  	p0 =	seq.s32 s5, $0x0;
	s5 =	sld [smem:$0x3FB3]  }
0x2b: {  	s6 =	sld [smem:$0x3FB4]  }
0x2c: {  	s7 =	sld [smem:$0x3FB5]  }
0x2d: {  	s3 =	simm.s32 $0x108;
	s8 =	sld [smem:$0x3FB6]  }
0x2e: {  	s3 =	simm.s32 @!p0 $0x1082;
	s9 =	sld [smem:$0x3FB7]  }
0x2f: {  	lr =	sadd.s32 s0, s3;
	s0 =	sld [smem:$0x3FAE]  }
0x30: {  	s3 =	sld [smem:$0x3FB1]  }
0x31: {  	[smem:$0x3FBA] =	sst s10  }
0x32: {  	s10 =	sld [smem:$0x3FB8];
	_ =	sdelay $0x3  }
0x33: {  	p0 =	seq.s32 s10, $0x1;
	s10 =	sld [smem:$0x3FBA];
	_ =	sdelay $0x3  }
0x34: {  	[smem:$0x3FBA] =	sst s10  }
0x35: {  	s10 =	sld [smem:$0x3FB9];
	_ =	sdelay $0x3  }
0x36: {  	p1 =	seq.s32 s10, $0x1;
	s10 =	sld [smem:$0x3FBA];
	_ =	sdelay $0x3  }
0x37: {  	[smem:$0x3FBA] =	sst s10  }
0x38: {  	s10 =	sld [smem:$0x3FBB]  }
0x39: {  	_ = 	snop;
	(pc) =	sbr.ind lr, $3  }
0x3a: {  	_ = 	snop  }
0x3b: {  	_ = 	snop  }
0x3c: {  	p2 =	seq.s32 s10, $0x1;
	s10 =	sld [smem:$0x3FBA]  }
0x3d: {  	_ =	shalt  }
0x3e: {  	_ =	shalt  }
0x3f: {  	_ =	shalt  }
0x40: {  	_ =	shalt  }
0x41: {  	_ =	shalt  }
0x42: {  	_ =	shalt  }
0x43: {  	_ =	shalt  }
0x44: {  	_ =	shalt  }
0x45: {  	_ =	shalt  }
0x46: {  	_ =	shalt  }
0x47: {  	_ =	shalt  }
0x48: {  	_ =	shalt  }
0x49: {  	_ =	shalt  }
0x4a: {  	_ =	shalt  }
0x4b: {  	_ =	shalt  }
0x4c: {  	_ =	shalt  }
0x4d: {  	_ =	shalt  }
0x4e: {  	_ =	shalt  }
0x4f: {  	_ =	shalt  }
0x50: {  	_ =	shalt  }
0x51: {  	_ =	shalt  }
0x52: {  	_ =	shalt  }
0x53: {  	_ =	shalt  }
0x54: {  	_ =	shalt  }
0x55: {  	_ =	shalt  }
0x56: {  	_ =	shalt  }
0x57: {  	_ =	shalt  }
0x58: {  	_ =	shalt  }
0x59: {  	_ =	shalt  }
0x5a: {  	_ =	shalt  }
0x5b: {  	_ =	shalt  }
0x5c: {  	_ =	shalt  }
0x5d: {  	_ =	shalt  }
0x5e: {  	_ =	shalt  }
0x5f: {  	_ =	shalt  }
0x60: {  	_ =	shalt  }
0x61: {  	_ =	shalt  }
0x62: {  	_ =	shalt  }
0x63: {  	_ =	shalt  }
0x64: {  	_ =	shalt  }
0x65: {  	_ =	shalt  }
0x66: {  	_ =	shalt  }
0x67: {  	_ =	shalt  }
0x68: {  	_ =	shalt  }
0x69: {  	_ =	shalt  }
0x6a: {  	_ =	shalt  }
0x6b: {  	_ =	shalt  }
0x6c: {  	_ =	shalt  }
0x6d: {  	_ =	shalt  }
0x6e: {  	_ =	shalt  }
0x6f: {  	_ =	shalt  }
0x70: {  	_ =	shalt  }
0x71: {  	_ =	shalt  }
0x72: {  	_ =	shalt  }
0x73: {  	_ =	shalt  }
0x74: {  	_ =	shalt  }
0x75: {  	_ =	shalt  }
0x76: {  	_ =	shalt  }
0x77: {  	_ =	shalt  }
0x78: {  	_ =	shalt  }
0x79: {  	_ =	shalt  }
0x7a: {  	_ =	shalt  }
0x7b: {  	_ =	shalt  }
0x7c: {  	_ =	shalt  }
0x7d: {  	_ =	shalt  }
0x7e: {  	_ =	shalt  }
0x7f: {  	_ =	shalt  }
0x80: {  	_ =	shalt  }
0x81: {  	_ =	shalt  }
0x82: {  	_ =	shalt  }
0x83: {  	_ =	shalt  }
0x84: {  	_ =	shalt  }
0x85: {  	_ =	shalt  }
0x86: {  	_ =	shalt  }
0x87: {  	_ =	shalt  }
.Lfunc_end0:
.L_simem_size_0:
called_computation_lowered:
.L_overlay_start_0:
0x88: {  	s2 =	sld [smem:$0x3FD9]  }
0x89: {  	s3 =	sld [smem:$0x3FFE];
	_ =	sdelay $0x1  }
0x8a: {  	s1 =	srdreg.scid  }
0x8b: {  	s0 =	sand.u32 $0x1, s1  }
0x8c: {  	s18 =	sshll.u32 s0, $0xA;
	s2 =	sadd.s32 s3, s2  }
0x8d: {  	s2 =	sadd.s32 s2, s18  }
0x8e: {  	[smem:$0x3FC6] =	sst s2  }
0x8f: {  	_ = 	snop  }
0x90: {  	s2 =	sld [smem:$0x3FC9]  }
0x91: {  	s19 =	sld [smem:$0x3FC8]  }
0x92: {  	s4 =	sld [smem:$0x3FD0];
	(tm) =	ssettm $0x1  }
0x93: {  	s5 =	sld [smem:$0x3FFB];
	_ =	sdelay $0x3  }
0x94: {  	_ =	strace s5  }
0x95: {  	s5 =	sld [smem:$0x3FFC];
	_ =	sdelay $0x3  }
0x96: {  	_ =	strace s5  }
0x97: {  	s5 =	sld [smem:$0x3FFD];
	_ =	sdelay $0x3  }
0x98: {  	_ =	strace s5  }
0x99: {  	_ =	strace $0x8FFFFFFF  }
0x9a: {  	s20 =	sld [smem:$0x3FDB];
	_ =	sdelay $0x1  }
0x9b: {  	s6 =	simm.s32 $_scs_section_size  }
0x9c: {  	s7 =	simm.s32 $_size__tile_overlayer_lowered;
	s8 =	simm.s32 $_tile_overlayer_lowered  }
0x9d: {  	s23 =	simm.s32 $0x1BFF;
	s22 =	sshll.u32 s8, $0x1;
	s5 =	sadd.s32 s6, s20  }
0x9e: {  	s9 =	simm.s32 $0x0;
	s21 =	sshll.u32 s7, $0x1;
	s7 =	sadd.s32 s22, s5  }
0x9f: {  	[timem:s9], [sflag:s23] =	dma.local [hbm:s7], s21  }
0xa0: {  	_ =	swait.ge [sflag:s23], s21  }
0xa1: {  	s6 =	ssub.s32 $0x0, s21;
	[sflag:s23] =	ssyncset.done $0x0  }
0xa2: {  	[sflag:s23] =	ssyncadd.s32 s6;
	_ =	sdelay $0x1  }
0xa3: {  	s24 =	simm.s32 $0x1B8B  }
0xa4: {  	_ =	swait.ge [sflag:s24], $0x1  }
0xa5: {  	[sflag:s24] =	ssyncset.done $0x0  }
0xa6: {  	s25 =	simm.s32 $0x1B8E;
	[sflag:s24] =	ssyncadd.s32 $0xFFFFFFFF  }
0xa7: {  	s26 =	simm.s32 $execute0_lowered;
	[smem:$0x3FD2] =	sst s25  }
0xa8: {  	s6 =	sshll.u32 s26, $0x1;
	_ =	strace $0x80000046;
	[dreg:$0x1] =	wrdreg $0xFFFFFFFF  }
0xa9: {  	s28 =	simm.s32 $_size_execute0_lowered;
	s5 =	sadd.s32 s5, s6;
	[dreg:$0x0] =	wrdreg $0x0  }
0xaa: {  	s6 =	sshll.u32 s28, $0x1;
	[dreg:$0x2] =	wrdreg s5  }
0xab: {  	[dreg:$0x3] =	wrdreg s6  }
0xac: {  	[dreg:$0x4] =	wrdreg $0xC0  }
0xad: {  	_ =	task [dreg:s9], $0x5FFFF  }
0xae: {  	[dreg:$0x1] =	wrdreg $0xFFFFFFFF  }
0xaf: {  	[dreg:$0x0] =	wrdreg $0x60  }
0xb0: {  	[dreg:$0x2] =	wrdreg s2  }
0xb1: {  	[dreg:$0x3] =	wrdreg s19  }
0xb2: {  	[dreg:$0x4] =	wrdreg s4  }
0xb3: {  	[dreg:$0x5] =	wrdreg $0x12C000  }
0xb4: {  	[dreg:$0x6] =	wrdreg $0x9  }
0xb5: {  	_ =	task.clear_ibuf [dreg:s9], $0x7FFFF;
	_ =	strace $0x90000046  }
0xb6: {  	s29 =	simm.s32 $0x9;
	_ =	strace $0x80000048  }
0xb7: {  	_ =	swait.ge [sflag:s29], $0x1  }
0xb8: {  	[sflag:s29] =	ssyncadd.s32 $0xFFFFFFFF  }
0xb9: {  	_ =	strace $0x90000048  }
0xba: {  	_ =	sfence  }
0xbb: {  	s30 =	sld [smem:$0x0];
	_ =	sdelay $0x2  }
0xbc: {  	s31 =	sshll.u32 s1, $0xD;
	s1 =	sshrl.u32 s1, $0x2  }
0xbd: {  	s3 =	sand.u32 $0x4000, s31;
	s1 =	sadd.s32 s1, s30  }
0xbe: {  	s0 =	sor.u32 s3, s0;
	s1 =	sshll.u32 s1, $0x11  }
0xbf: {  	s0 =	sor.u32 s1, s0  }
0xc0: {  	s0 =	sadd.s32 $0x8F2B, s0  }
0xc1: {  	[sflag:s0] =	ssyncadd.remote.s32 $0x1  }
0xc2: {  	_ =	sfence.sel $0xFFFF  }
0xc3: {  	[dreg:$0x0] =	wrdreg $0xFFFFFFFF;
	(pc) =	sbr.abs _section_cstart, $3  }
0xc4: {  	[dreg:$0x1] =	wrdreg $0xFFFFFFFF  }
0xc5: {  	_ =	task.clear_ibuf [dreg:s9], $0x2FFFF;
	_ =	strace $0x9FFFFFFF  }
0xc6: {  	(tm) =	ssettm $0x7FFFFFFF  }
0xc7: {  	_ =	shalt  }
tec
execute0_lowered:
.L_overlay_start_1:
0x0: {  	(tag) =	ssettag $0x1  }
0x1: {  	s4 =	rddreg [dreg:$0x0]  }
0x2: {  	s1 =	rddreg [dreg:$0x1]  }
0x3: {  	s2 =	srdreg.scid;
	s8 =	rddreg [dreg:$0x2]  }
0x4: {  	s0 =	stileid.u32;
	s5 =	rddreg [dreg:$0x3]  }
0x5: {  	s3 =	simm.s32 $0x0;
	s13 =	simm.s32 $0x6400;
	s14 =	simm.s32 $0xC800  }
0x6: {  	s15 =	simm.s32 $0x1;
	s16 =	simm.s32 $0x2;
	s17 =	simm.s32 $0x5  }
0x7: {  	s20 =	simm.s32 $0x3;
	s21 =	simm.s32 $0x6;
	s23 =	simm.s32 $0x4  }
0x8: {  	s24 =	simm.s32 $0x0;
	s6 =	sand.u32 $0x1, s2;
	s2 =	rddreg [dreg:$0x4]  }
0x9: {  	s26 =	sshll.u32 s0, $0x1;
	[smem:$0x7FF] =	sst s3;
	s11 =	smul.u32 $0x32000, s0  }
0xa: {  	s29 =	smul.u32 $0xC8000, s0;
	s22 =	sshll.u32 s0, $0x6;
	s7 =	sor.u32 s6, s26  }
0xb: {  	s10 =	ssub.s32 $0x2, s6;
	_ =	strace $0x80000047;
	s31 =	smul.u32 $0x64000, s6  }
0xc: {  	s18 =	sor.u32 $0x1C03, s22;
	s22 =	sor.u32 $0x1C04, s22;
	s9 =	smul.u32 $0x6400, s7  }
0xd: {  	s12 =	sshrl.u32 s10, $0x1;
	s7 =	smul.u32 $0x320000, s7;
	s28 =	sshrl.u32 s11, $0x2  }
0xe: {  	s11 =	sadd.s32 s29, s8;
	s10 =	ssub.s32 s10, s12;
	s5 =	sadd.s32 s28, s5  }
0xf: {  	s12 =	simm.s32 $0xC8;
	s9 =	sshrl.u32 s9, $0x3;
	s7 =	sshrl.u32 s7, $0x3  }
0x10: {  	s6 =	sadd.s32 $0x6400, s5;
	s19 =	sshrl.u32 s5, $0x3;
	s4 =	sadd.s32 s4, s9  }
0x11: {  	s30 =	sadd.s32 s8, s7;
	s9 =	smax.u32 s10, $0x1;
	s10 =	sadd.s32 s31, s11  }
0x12: {  	s11 =	simm.s32 $0x7;
	s7 =	sadd.s32 $0x62700, s30;
	s8 =	sadd.s32 $0x63380, s30  }
.LBB2_1:
0x13: {  	[tilespmem:s3], [sflag:$0x7] =	stream.linear.gather [hbm4b:s4+s3], $0x6400, $0x38;
	[tilespmem:$0x1F400] =	vst v63  }
0x14: {  	_ =	swait.ge [sflag:s11], $0x6400  }
0x15: {  	[sflag:s11] =	ssyncset.done $0x0  }
0x16: {  	[sflag:s11] =	ssyncadd.s32 $0xFFFF9C00  }
0x17: {  	[tilespmem:s13], [sflag:$0x1] =	stream.indirect.gather [hbm4b:s1+s12], $0x80, s3, s12, $0xb8;
	[tilespmem:$0x1F400] =	vst v63  }
0x18: {  	_ = 	snop  }
0x19: {  	[tilespmem:s14], [sflag:$0x2] =	stream.indirect.gather [hbm4b:s1+s12], $0x80, s12, s12, $0xb8;
	[tilespmem:$0x1F400] =	vst v63  }
0x1a: {  	_ =	swait.ge [sflag:s15], $0x6400  }
0x1b: {  	[sflag:s15] =	ssyncset.done $0x0  }
0x1c: {  	[sflag:s15] =	ssyncadd.s32 $0xFFFF9C00  }
0x1d: {  	[spmem:s5] =	stream.linear.scatter [tilespmem:s13], [sflag:$0x5], $0x6400, $0x38;
	[tilespmem:$0x1F400] =	vst v63  }
0x1e: {  	_ =	swait.ge [sflag:s16], $0x6400  }
0x1f: {  	[sflag:s16] =	ssyncset.done $0x0  }
0x20: {  	[sflag:s16] =	ssyncadd.s32 $0xFFFF9C00  }
0x21: {  	[spmem:s6] =	stream.linear.scatter [tilespmem:s14], [sflag:$0x6], $0x6400, $0x38;
	[tilespmem:$0x1F400] =	vst v63  }
0x22: {  	_ =	swait.ge [sflag:s17], $0x6400  }
0x23: {  	[sflag:s17] =	ssyncset.done $0x0  }
0x24: {  	s25 =	sadd.s32 $0x0, s10;
	s26 =	simm.s32 $0x190;
	[sflag:s17] =	ssyncadd.s32 $0xFFFF9C00  }
0x25: {  	[hbm:s25], [sflag:s18] =	dma.local [spmem:s19], $0xC80  }
0x26: {  	[tilespmem:s13], [sflag:$0x1] =	stream.indirect.gather [hbm4b:s1+s12], $0x80, s26, s12, $0xb8;
	[tilespmem:$0x1F400] =	vst v63  }
0x27: {  	_ =	swait.ge [sflag:s20], $0xC80  }
0x28: {  	[sflag:s20] =	ssyncset.done $0x0  }
0x29: {  	[sflag:s20] =	ssyncadd.s32 $0xFFFFF380  }
0x2a: {  	_ =	swait.ge [sflag:s15], $0x6400  }
0x2b: {  	[sflag:s15] =	ssyncset.done $0x0  }
0x2c: {  	[sflag:s15] =	ssyncadd.s32 $0xFFFF9C00  }
0x2d: {  	[spmem:s5] =	stream.linear.scatter [tilespmem:s13], [sflag:$0x5], $0x6400, $0x38;
	[tilespmem:$0x1F400] =	vst v63  }
0x2e: {  	_ =	swait.ge [sflag:s21], $0x6400  }
0x2f: {  	s31 =	simm.s32 $0x258;
	[sflag:s21] =	ssyncset.done $0x0  }
0x30: {  	s28 =	sadd.s32 $0xC80, s25;
	s25 =	sshrl.u32 s6, $0x3;
	[sflag:s21] =	ssyncadd.s32 $0xFFFF9C00  }
0x31: {  	[hbm:s28], [sflag:s22] =	dma.local [spmem:s25], $0xC80  }
0x32: {  	[tilespmem:s14], [sflag:$0x2] =	stream.indirect.gather [hbm4b:s1+s12], $0x80, s31, s12, $0xb8;
	[tilespmem:$0x1F400] =	vst v63  }
0x33: {  	_ =	swait.ge [sflag:s23], $0xC80  }
0x34: {  	[sflag:s23] =	ssyncset.done $0x0  }
0x35: {  	[sflag:s23] =	ssyncadd.s32 $0xFFFFF380  }
0x36: {  	_ =	swait.ge [sflag:s16], $0x6400  }
0x37: {  	[sflag:s16] =	ssyncset.done $0x0  }
0x38: {  	s26 =	simm.s32 $0x1900;
	s28 =	simm.s32 $0x3E8;
	[sflag:s16] =	ssyncadd.s32 $0xFFFF9C00  }
.LBB2_2:
0x39: {  	[spmem:s6] =	stream.linear.scatter [tilespmem:s14], [sflag:$0x6], $0x6400, $0x38;
	[tilespmem:$0x1F400] =	vst v63  }
0x3a: {  	s29 =	smov.u32 s26  }
0x3b: {  	p0 =	sne.s32 s26, $0x60E00;
	s26 =	sadd.s32 $0x1900, s26;
	_ =	swait.ge [sflag:s17], $0x6400  }
0x3c: {  	[sflag:s17] =	ssyncset.done $0x0  }
0x3d: {  	s30 =	sadd.s32 $0xFFFFFF38, s28;
	s29 =	sadd.s32 s29, s10;
	[sflag:s17] =	ssyncadd.s32 $0xFFFF9C00  }
0x3e: {  	[hbm:s29], [sflag:s18] =	dma.local [spmem:s19], $0xC80  }
0x3f: {  	[tilespmem:s13], [sflag:$0x1] =	stream.indirect.gather [hbm4b:s1+s12], $0x80, s30, s12, $0xb8;
	[tilespmem:$0x1F400] =	vst v63  }
0x40: {  	_ =	swait.ge [sflag:s20], $0xC80  }
0x41: {  	[sflag:s20] =	ssyncset.done $0x0  }
0x42: {  	[sflag:s20] =	ssyncadd.s32 $0xFFFFF380  }
0x43: {  	_ =	swait.ge [sflag:s15], $0x6400  }
0x44: {  	[sflag:s15] =	ssyncset.done $0x0  }
0x45: {  	[sflag:s15] =	ssyncadd.s32 $0xFFFF9C00  }
0x46: {  	[spmem:s5] =	stream.linear.scatter [tilespmem:s13], [sflag:$0x5], $0x6400, $0x38;
	[tilespmem:$0x1F400] =	vst v63  }
0x47: {  	_ =	swait.ge [sflag:s21], $0x6400  }
0x48: {  	[sflag:s21] =	ssyncset.done $0x0  }
0x49: {  	s29 =	sadd.s32 $0xC80, s29;
	[sflag:s21] =	ssyncadd.s32 $0xFFFF9C00  }
0x4a: {  	[hbm:s29], [sflag:s22] =	dma.local [spmem:s25], $0xC80  }
0x4b: {  	[tilespmem:s14], [sflag:$0x2] =	stream.indirect.gather [hbm4b:s1+s12], $0x80, s28, s12, $0xb8;
	[tilespmem:$0x1F400] =	vst v63  }
0x4c: {  	_ =	swait.ge [sflag:s23], $0xC80  }
.Ltmp0:
0x4d: {  	[sflag:s23] =	ssyncset.done $0x0;
	(pc) =	sbr.rel @p0 .LBB2_2-.Ltmp0, $4  }
0x4e: {  	[sflag:s23] =	ssyncadd.s32 $0xFFFFF380  }
0x4f: {  	_ =	swait.ge [sflag:s16], $0x6400  }
0x50: {  	[sflag:s16] =	ssyncset.done $0x0  }
0x51: {  	s28 =	sadd.s32 $0x190, s28;
	[sflag:s16] =	ssyncadd.s32 $0xFFFF9C00  }
0x52: {  	[spmem:s6] =	stream.linear.scatter [tilespmem:s14], [sflag:$0x6], $0x6400, $0x38;
	[tilespmem:$0x1F400] =	vst v63  }
0x53: {  	_ =	swait.ge [sflag:s17], $0x6400  }
0x54: {  	[sflag:s17] =	ssyncset.done $0x0  }
0x55: {  	[sflag:s17] =	ssyncadd.s32 $0xFFFF9C00  }
0x56: {  	[hbm:s7], [sflag:s18] =	dma.local [spmem:s19], $0xC80  }
0x57: {  	_ =	swait.ge [sflag:s21], $0x6400  }
0x58: {  	[sflag:s21] =	ssyncset.done $0x0  }
0x59: {  	s24 =	sadd.s32 $0x1, s24;
	[sflag:s21] =	ssyncadd.s32 $0xFFFF9C00  }
0x5a: {  	[hbm:s8], [sflag:s22] =	dma.local [spmem:s25], $0xC80  }
0x5b: {  	p0 =	sne.s32 s24, s9;
	_ =	swait.ge [sflag:s20], $0xC80  }
.Ltmp1:
0x5c: {  	[sflag:s20] =	ssyncset.done $0x0;
	(pc) =	sbr.rel @p0 .LBB2_1-.Ltmp1, $4  }
0x5d: {  	[sflag:s20] =	ssyncadd.s32 $0xFFFFF380  }
0x5e: {  	_ =	swait.ge [sflag:s23], $0xC80  }
0x5f: {  	[sflag:s23] =	ssyncset.done $0x0  }
0x60: {  	[sflag:s23] =	ssyncadd.s32 $0xFFFFF380  }
0x61: {  	_ =	sfence.sel $0x180000  }
0x62: {  	[bflag:$0x0] =	sbarrier.arrive $0xFFFF  }
0x63: {  	p0 =	sne.s32 s0, $0x0;
	_ =	strace $0x90000047  }
0x64: {  	s0 =	sadd.s32 @!p0 $0x100000, s2;
	[bflag:$0x2] =	sbarrier.arrive $0xFFFF  }
0x65: {  	[sflag:s0] =	ssyncadd.tile.s32 @!p0 $0x1;
	_ =	shalt  }
.Lfunc_end2:
_tile_overlayer_lowered:
.L_overlay_start_2:
0x66: {  	(tag) =	ssettag $0x2  }
0x67: {  	s0 =	rddreg [dreg:$0x0];
	s2 =	stileid.u32  }
0x68: {  	s1 =	rddreg [dreg:$0x1];
	p0 =	sne.s32 s2, $0x0  }
0x69: {  	s3 =	rddreg [dreg:$0x2];
	[bflag:$0x3] =	sbarrier.arrive $0xFFFF;
	s2 =	simm.s32 @!p0 $0x1C07  }
0x6a: {  	[timem:s3], [sflag:s2] =	dma.local @!p0 [hbm:s0], s1  }
0x6b: {  	s0 =	simm.s32 @!p0 $0x7  }
0x6c: {  	_ =	swait.ge @!p0 [sflag:s0], s1  }
0x6d: {  	s1 =	ssub.s32 @!p0 $0x0, s1;
	[sflag:s0] =	ssyncset.done @!p0 $0x0  }
0x6e: {  	[sflag:s0] =	ssyncadd.s32 @!p0 s1  }
0x6f: {  	[bflag:$0x3] =	sbarrier.arrive $0xFFFF  }
0x70: {  	_ =	shalt  }

</sc_bundles>
